<compile_context>
chip_gen: v7x
topology: tpu7x:2x2x1
jax: 0.10.2.dev20260603
libtpu: 0.0.44.dev20260713+nightly
codegen_flags: <defaults>
</compile_context>

<pallas_src>
import functools

import jax
import jax.numpy as jnp
from jax import lax
from jax.experimental import pallas as pl
from jax.experimental.pallas import tpu as pltpu
from jax.experimental.pallas import tpu_sc as plsc

B = 16384
D = 512
L = 16
NC = 2
NS = 16
NW = NC * NS
BPW = B // NW
C = 64
G = C // L
NCHUNKS = BPW // C


def _sc_body(table, idx_a, idx_b, wts, x0_out, x1_out,
             idx_av, idx_bv, rows_a, rows_b, wts_v, x0_c, x1_c,
             sem_a, sem_b):
  wid = lax.axis_index("s") * NC + lax.axis_index("c")
  base0 = wid * BPW

  pltpu.sync_copy(wts, wts_v)

  iota = lax.iota(jnp.int32, L)
  zero = jnp.zeros((L,), jnp.float32)

  def chunk_body(c, carry):
    base = base0 + c * C
    pltpu.sync_copy(idx_a.at[pl.ds(base, C)], idx_av)
    pltpu.sync_copy(idx_b.at[pl.ds(base, C)], idx_bv)
    cpa = pltpu.async_copy(table.at[idx_av], rows_a, sem_a)
    cpb = pltpu.async_copy(table.at[idx_bv], rows_b, sem_b)
    cpa.wait()
    cpb.wait()

    def j_body(j, accs):
      js = jnp.full((L,), j, jnp.int32)
      w0 = plsc.load_gather(wts_v, [js])
      w1 = plsc.load_gather(wts_v, [js + D])
      w2 = plsc.load_gather(wts_v, [js + 2 * D])
      w3 = plsc.load_gather(wts_v, [js + 3 * D])
      out = []
      for g in range(G):
        ia = iota + (g * L)
        va = plsc.load_gather(rows_a, [ia, js])
        vb = plsc.load_gather(rows_b, [ia, js])
        out.append(accs[2 * g] + (va * w0 + vb * w2))
        out.append(accs[2 * g + 1] + (va * w1 + vb * w3))
      return tuple(out)

    accs = lax.fori_loop(0, D, j_body, tuple(zero for _ in range(2 * G)))
    for g in range(G):
      x0_c[pl.ds(g * L, L)] = accs[2 * g]
      x1_c[pl.ds(g * L, L)] = accs[2 * g + 1]

    pltpu.sync_copy(x0_c, x0_out.at[pl.ds(base, C)])
    pltpu.sync_copy(x1_c, x1_out.at[pl.ds(base, C)])
    return carry

  lax.fori_loop(0, NCHUNKS, chunk_body, 0)


@jax.jit
def _sc_logits(table, idx_a, idx_b, wts):
  mesh = plsc.VectorSubcoreMesh(core_axis_name="c", subcore_axis_name="s")
  kern = functools.partial(
      pl.kernel,
      mesh=mesh,
      compiler_params=pltpu.CompilerParams(needs_layout_passes=False),
      out_type=(
          jax.ShapeDtypeStruct((B,), jnp.float32),
          jax.ShapeDtypeStruct((B,), jnp.float32),
      ),
      scratch_types=[
          pltpu.VMEM((C,), jnp.int32),
          pltpu.VMEM((C,), jnp.int32),
          pltpu.VMEM((C, D), jnp.float32),
          pltpu.VMEM((C, D), jnp.float32),
          pltpu.VMEM((4 * D,), jnp.float32),
          pltpu.VMEM((C,), jnp.float32),
          pltpu.VMEM((C,), jnp.float32),
          pltpu.SemaphoreType.DMA,
          pltpu.SemaphoreType.DMA,
      ],
  )(_sc_body)
  return kern(table, idx_a, idx_b, wts)


def _tc_body(x0_ref, x1_ref, b3_ref, o0_ref, o1_ref):
  x0 = x0_ref[...] + b3_ref[0]
  x1 = x1_ref[...] + b3_ref[1]
  m = jnp.maximum(x0, x1)
  lse = m + jnp.log(jnp.exp(x0 - m) + jnp.exp(x1 - m))
  o0_ref[...] = x0 - lse
  o1_ref[...] = x1 - lse


@jax.jit
def _tc_logsoftmax(x0, x1, b3):
  r = B // 128
  o0, o1 = pl.pallas_call(
      _tc_body,
      out_shape=(
          jax.ShapeDtypeStruct((r, 128), jnp.float32),
          jax.ShapeDtypeStruct((r, 128), jnp.float32),
      ),
      in_specs=[
          pl.BlockSpec(memory_space=pltpu.VMEM),
          pl.BlockSpec(memory_space=pltpu.VMEM),
          pl.BlockSpec(memory_space=pltpu.SMEM),
      ],
      out_specs=(
          pl.BlockSpec(memory_space=pltpu.VMEM),
          pl.BlockSpec(memory_space=pltpu.VMEM),
      ),
  )(x0.reshape(r, 128), x1.reshape(r, 128), b3)
  return jnp.stack([o0.reshape(B), o1.reshape(B)], axis=-1)


def kernel(inputs, epoch, table, W3, b3):
  del epoch
  w0 = W3[0:512]
  w1 = W3[512:1024]
  w2 = W3[1024:1536]
  w3b = W3[1536:2048]
  wa = w0 + w1 + w2
  wb = w1 - w0 + w3b
  wts = jnp.concatenate([wa[:, 0], wa[:, 1], wb[:, 0], wb[:, 1]])
  idx_a = inputs[:, 0]
  idx_b = inputs[:, 1]
  x0, x1 = _sc_logits(table, idx_a, idx_b, wts)
  return _tc_logsoftmax(x0, x1, b3)

# --- scband reference (transcript-rebuilt; emitter-appended) ---
"""Pipeline reference for scband-siamese-network-32341103739369 (READ-ONLY COPY).

The authoritative reference and input builder live on the scoring server;
editing this copy changes nothing except your own understanding.
"""

import jax, jax.numpy as jnp
import numpy as np

VOCAB = 1000000
EMB_DIM = 512
BATCH = 16384

def setup_inputs(seed: int = 0) -> dict:
    key = jax.random.key(seed)
    k1, k2, k3, k4 = jax.random.split(key, 4)
    inputs = jax.random.randint(k1, (BATCH, 2), 0, VOCAB, dtype=jnp.int64 if jax.config.jax_enable_x64 else jnp.int32).astype(jnp.int32)
    table = jax.random.normal(k2, (VOCAB, EMB_DIM), dtype=jnp.float32) * 0.02
    W3 = jax.random.normal(k3, (2048, 2), dtype=jnp.float32) * (1.0 / np.sqrt(2048.0))
    b3 = jax.random.normal(k4, (2,), dtype=jnp.float32) * 0.01
    return {"inputs": inputs, "epoch": 1, "table": table, "W3": W3, "b3": b3}

def reference(inputs, epoch, table, W3, b3):
    # inputs: [B, 2] int; transpose -> [2, B]
    inp_t = inputs.T
    a = jnp.take(table, inp_t[0], axis=0)  # [B, 512]
    b = jnp.take(table, inp_t[1], axis=0)  # [B, 512]
    cat = jnp.concatenate([a - b, a + b, a, b], axis=1)  # [B, 2048]
    x = cat @ W3 + b3  # [B, 2]
    return jax.nn.log_softmax(x, axis=1)

if False:  # reference __main__ guard neutralized (emitter)
    out = reference(**setup_inputs())
    print(out.shape, out.dtype)

if __name__ == "__main__":
    import jax
    _d = setup_inputs()
    print(jax.jit(kernel)(*tuple(_d.values())))

</pallas_src>

<mosaic_0001>
#map = affine_map<(d0, d1) -> (0, 0)>
#map1 = affine_map<(d0, d1) -> (0)>
module attributes {stable_mosaic.version = 14 : i64} {
  func.func @_sc_body(%arg0: i32, %arg1: i32, %arg2: memref<1000000x512xf32, #tpu.memory_space<hbm>>, %arg3: memref<16384xi32, #tpu.memory_space<hbm>>, %arg4: memref<16384xi32, #tpu.memory_space<hbm>>, %arg5: memref<2048xf32, #tpu.memory_space<hbm>>, %arg6: memref<16384xf32, #tpu.memory_space<hbm>>, %arg7: memref<16384xf32, #tpu.memory_space<hbm>>, %arg8: memref<64xi32, #tpu.memory_space<vmem>>, %arg9: memref<64xi32, #tpu.memory_space<vmem>>, %arg10: memref<64x512xf32, #tpu.memory_space<vmem>>, %arg11: memref<64x512xf32, #tpu.memory_space<vmem>>, %arg12: memref<2048xf32, #tpu.memory_space<vmem>>, %arg13: memref<64xf32, #tpu.memory_space<vmem>>, %arg14: memref<64xf32, #tpu.memory_space<vmem>>, %arg15: memref<!tpu.dma_semaphore, #tpu.memory_space<semaphore_mem>>, %arg16: memref<!tpu.dma_semaphore, #tpu.memory_space<semaphore_mem>>) attributes {dimension_semantics = [#tpu.dimension_semantics<core_parallel>, #tpu.dimension_semantics<subcore_parallel>], iteration_bounds = array<i64: 2, 16>, scalar_prefetch = 0 : i64, scratch_operands = 9 : i64, tpu.core_type = #tpu.core_type<sc_vector_subcore>, window_params = [{transform_indices = #map}, {transform_indices = #map1}, {transform_indices = #map1}, {transform_indices = #map1}, {transform_indices = #map1}, {transform_indices = #map1}]} {
    %mul3A = arith.constant 2 : i32
    %mul3A_0 = arith.muli %arg1, %mul3A : i32
    %add3A = arith.addi %mul3A_0, %arg0 : i32
    %mul3A_1 = arith.constant 512 : i32
    %mul3A_2 = arith.muli %add3A, %mul3A_1 : i32
    "tpu.region"() ({
      %run_scoped3A = tpu.sem_alloc : memref<!tpu.dma_semaphore, #tpu.memory_space<semaphore_mem>>
      tpu.enqueue_dma source(%arg5 : memref<2048xf32, #tpu.memory_space<hbm>>) target(%arg12 : memref<2048xf32, #tpu.memory_space<vmem>>) target_semaphore(%run_scoped3A : memref<!tpu.dma_semaphore, #tpu.memory_space<semaphore_mem>>)
      tpu.wait_dma2 semaphore(%run_scoped3A : memref<!tpu.dma_semaphore, #tpu.memory_space<semaphore_mem>>) src(%arg5 : memref<2048xf32, #tpu.memory_space<hbm>>) dst(%arg12 : memref<2048xf32, #tpu.memory_space<vmem>>)
      tpu.yield
    }) : () -> ()
    %iota3A = tpu.iota {dimensions = array<i32: 0>} : vector<16xi32>
    %broadcast_in_dim3A = arith.constant 0.000000e+00 : f32
    %broadcast_in_dim3A_3 = vector.broadcast %broadcast_in_dim3A : f32 to vector<16xf32>
    %scan3A = arith.constant 0 : i32
    %scan3A_4 = arith.constant 0 : i32
    %scan3A_5 = arith.constant 8 : i32
    %scan3A_6 = arith.addi %scan3A_4, %scan3A_5 : i32
    %scan3A_7 = arith.constant 1 : i32
    scf.for %scan3A_9 = %scan3A_4 to %scan3A_6 step %scan3A_7  : i32 {
      %mul3A_10 = arith.constant 64 : i32
      %mul3A_11 = arith.muli %scan3A_9, %mul3A_10 : i32
      %add3A_12 = arith.addi %mul3A_2, %mul3A_11 : i32
      "tpu.region"() ({
        %run_scoped3A = tpu.sem_alloc : memref<!tpu.dma_semaphore, #tpu.memory_space<semaphore_mem>>
        %dma_start3A_44 = tpu.memref_slice %arg3[%add3A_12] : memref<16384xi32, #tpu.memory_space<hbm>> -> memref<64xi32, #tpu.memory_space<hbm>>
        %dma_start3A_45 = tpu.memref_slice %arg3[%add3A_12] : memref<16384xi32, #tpu.memory_space<hbm>> -> memref<64xi32, #tpu.memory_space<hbm>>
        tpu.enqueue_dma source(%dma_start3A_45 : memref<64xi32, #tpu.memory_space<hbm>>) target(%arg8 : memref<64xi32, #tpu.memory_space<vmem>>) target_semaphore(%run_scoped3A : memref<!tpu.dma_semaphore, #tpu.memory_space<semaphore_mem>>)
        %dma_wait3A_46 = tpu.memref_slice %arg3[%add3A_12] : memref<16384xi32, #tpu.memory_space<hbm>> -> memref<64xi32, #tpu.memory_space<hbm>>
        %dma_wait3A_47 = tpu.memref_slice %arg3[%add3A_12] : memref<16384xi32, #tpu.memory_space<hbm>> -> memref<64xi32, #tpu.memory_space<hbm>>
        tpu.wait_dma2 semaphore(%run_scoped3A : memref<!tpu.dma_semaphore, #tpu.memory_space<semaphore_mem>>) src(%dma_wait3A_47 : memref<64xi32, #tpu.memory_space<hbm>>) dst(%arg8 : memref<64xi32, #tpu.memory_space<vmem>>)
        tpu.yield
      }) : () -> ()
      "tpu.region"() ({
        %run_scoped3A = tpu.sem_alloc : memref<!tpu.dma_semaphore, #tpu.memory_space<semaphore_mem>>
        %dma_start3A_44 = tpu.memref_slice %arg4[%add3A_12] : memref<16384xi32, #tpu.memory_space<hbm>> -> memref<64xi32, #tpu.memory_space<hbm>>
        %dma_start3A_45 = tpu.memref_slice %arg4[%add3A_12] : memref<16384xi32, #tpu.memory_space<hbm>> -> memref<64xi32, #tpu.memory_space<hbm>>
        tpu.enqueue_dma source(%dma_start3A_45 : memref<64xi32, #tpu.memory_space<hbm>>) target(%arg9 : memref<64xi32, #tpu.memory_space<vmem>>) target_semaphore(%run_scoped3A : memref<!tpu.dma_semaphore, #tpu.memory_space<semaphore_mem>>)
        %dma_wait3A_46 = tpu.memref_slice %arg4[%add3A_12] : memref<16384xi32, #tpu.memory_space<hbm>> -> memref<64xi32, #tpu.memory_space<hbm>>
        %dma_wait3A_47 = tpu.memref_slice %arg4[%add3A_12] : memref<16384xi32, #tpu.memory_space<hbm>> -> memref<64xi32, #tpu.memory_space<hbm>>
        tpu.wait_dma2 semaphore(%run_scoped3A : memref<!tpu.dma_semaphore, #tpu.memory_space<semaphore_mem>>) src(%dma_wait3A_47 : memref<64xi32, #tpu.memory_space<hbm>>) dst(%arg9 : memref<64xi32, #tpu.memory_space<vmem>>)
        tpu.yield
      }) : () -> ()
      %dma_start3A = arith.constant 0 : i32
      %dma_start3A_13 = arith.constant 0 : i32
      %dma_start3A_14 = tpu.memref_slice %arg2[%dma_start3A, %dma_start3A_13] : memref<1000000x512xf32, #tpu.memory_space<hbm>> -> memref<1000000x512xf32, #tpu.memory_space<hbm>>
      tpu.enqueue_indirect_dma source(%dma_start3A_14 : memref<1000000x512xf32, #tpu.memory_space<hbm>>) target(%arg10 : memref<64x512xf32, #tpu.memory_space<vmem>>) offsets(%arg8 : memref<64xi32, #tpu.memory_space<vmem>>) semaphore(%arg15 : memref<!tpu.dma_semaphore, #tpu.memory_space<semaphore_mem>>)
      %dma_start3A_15 = arith.constant 0 : i32
      %dma_start3A_16 = arith.constant 0 : i32
      %dma_start3A_17 = tpu.memref_slice %arg2[%dma_start3A_15, %dma_start3A_16] : memref<1000000x512xf32, #tpu.memory_space<hbm>> -> memref<1000000x512xf32, #tpu.memory_space<hbm>>
      tpu.enqueue_indirect_dma source(%dma_start3A_17 : memref<1000000x512xf32, #tpu.memory_space<hbm>>) target(%arg11 : memref<64x512xf32, #tpu.memory_space<vmem>>) offsets(%arg9 : memref<64xi32, #tpu.memory_space<vmem>>) semaphore(%arg16 : memref<!tpu.dma_semaphore, #tpu.memory_space<semaphore_mem>>)
      %dma_wait3A = arith.constant 0 : i32
      %dma_wait3A_18 = arith.constant 0 : i32
      %dma_wait3A_19 = tpu.memref_slice %arg2[%dma_wait3A, %dma_wait3A_18] : memref<1000000x512xf32, #tpu.memory_space<hbm>> -> memref<1000000x512xf32, #tpu.memory_space<hbm>>
      tpu.wait_indirect_dma semaphore(%arg15 : memref<!tpu.dma_semaphore, #tpu.memory_space<semaphore_mem>>) src(%dma_wait3A_19 : memref<1000000x512xf32, #tpu.memory_space<hbm>>) dst(%arg10 : memref<64x512xf32, #tpu.memory_space<vmem>>)
      %dma_wait3A_20 = arith.constant 0 : i32
      %dma_wait3A_21 = arith.constant 0 : i32
      %dma_wait3A_22 = tpu.memref_slice %arg2[%dma_wait3A_20, %dma_wait3A_21] : memref<1000000x512xf32, #tpu.memory_space<hbm>> -> memref<1000000x512xf32, #tpu.memory_space<hbm>>
      tpu.wait_indirect_dma semaphore(%arg16 : memref<!tpu.dma_semaphore, #tpu.memory_space<semaphore_mem>>) src(%dma_wait3A_22 : memref<1000000x512xf32, #tpu.memory_space<hbm>>) dst(%arg11 : memref<64x512xf32, #tpu.memory_space<vmem>>)
      %scan3A_23 = arith.constant 0 : i32
      %scan3A_24 = arith.constant 512 : i32
      %scan3A_25 = arith.addi %scan3A_23, %scan3A_24 : i32
      %scan3A_26 = arith.constant 1 : i32
      %scan3A_27:8 = scf.for %scan3A_44 = %scan3A_23 to %scan3A_25 step %scan3A_26 iter_args(%scan3A_45 = %broadcast_in_dim3A_3, %scan3A_46 = %broadcast_in_dim3A_3, %scan3A_47 = %broadcast_in_dim3A_3, %scan3A_48 = %broadcast_in_dim3A_3, %scan3A_49 = %broadcast_in_dim3A_3, %scan3A_50 = %broadcast_in_dim3A_3, %scan3A_51 = %broadcast_in_dim3A_3, %scan3A_52 = %broadcast_in_dim3A_3) -> (vector<16xf32>, vector<16xf32>, vector<16xf32>, vector<16xf32>, vector<16xf32>, vector<16xf32>, vector<16xf32>, vector<16xf32>)  : i32 {
        %broadcast_in_dim3A_53 = vector.broadcast %scan3A_44 : i32 to vector<16xi32>
        %gather3A = tpu.vector_load_idx %arg12[%broadcast_in_dim3A_53] : memref<2048xf32, #tpu.memory_space<vmem>>[vector<16xi32>], vector<16xf32>,
        %add3A_54 = arith.constant 512 : i32
        %add3A_55 = vector.broadcast %add3A_54 : i32 to vector<16xi32>
        %add3A_56 = arith.addi %broadcast_in_dim3A_53, %add3A_55 : vector<16xi32>
        %gather3A_57 = tpu.vector_load_idx %arg12[%add3A_56] : memref<2048xf32, #tpu.memory_space<vmem>>[vector<16xi32>], vector<16xf32>,
        %add3A_58 = arith.constant 1024 : i32
        %add3A_59 = vector.broadcast %add3A_58 : i32 to vector<16xi32>
        %add3A_60 = arith.addi %broadcast_in_dim3A_53, %add3A_59 : vector<16xi32>
        %gather3A_61 = tpu.vector_load_idx %arg12[%add3A_60] : memref<2048xf32, #tpu.memory_space<vmem>>[vector<16xi32>], vector<16xf32>,
        %add3A_62 = arith.constant 1536 : i32
        %add3A_63 = vector.broadcast %add3A_62 : i32 to vector<16xi32>
        %add3A_64 = arith.addi %broadcast_in_dim3A_53, %add3A_63 : vector<16xi32>
        %gather3A_65 = tpu.vector_load_idx %arg12[%add3A_64] : memref<2048xf32, #tpu.memory_space<vmem>>[vector<16xi32>], vector<16xf32>,
        %add3A_66 = arith.constant 0 : i32
        %add3A_67 = vector.broadcast %add3A_66 : i32 to vector<16xi32>
        %add3A_68 = arith.addi %iota3A, %add3A_67 : vector<16xi32>
        %gather3A_69 = tpu.vector_load_idx %arg10[%add3A_68, %broadcast_in_dim3A_53] : memref<64x512xf32, #tpu.memory_space<vmem>>[vector<16xi32>, vector<16xi32>], vector<16xf32>,
        %gather3A_70 = tpu.vector_load_idx %arg11[%add3A_68, %broadcast_in_dim3A_53] : memref<64x512xf32, #tpu.memory_space<vmem>>[vector<16xi32>, vector<16xi32>], vector<16xf32>,
        %mul3A_71 = arith.mulf %gather3A_69, %gather3A : vector<16xf32>
        %mul3A_72 = arith.mulf %gather3A_70, %gather3A_61 : vector<16xf32>
        %add3A_73 = arith.addf %mul3A_71, %mul3A_72 : vector<16xf32>
        %add3A_74 = arith.addf %scan3A_45, %add3A_73 : vector<16xf32>
        %mul3A_75 = arith.mulf %gather3A_69, %gather3A_57 : vector<16xf32>
        %mul3A_76 = arith.mulf %gather3A_70, %gather3A_65 : vector<16xf32>
        %add3A_77 = arith.addf %mul3A_75, %mul3A_76 : vector<16xf32>
        %add3A_78 = arith.addf %scan3A_46, %add3A_77 : vector<16xf32>
        %add3A_79 = arith.constant 16 : i32
        %add3A_80 = vector.broadcast %add3A_79 : i32 to vector<16xi32>
        %add3A_81 = arith.addi %iota3A, %add3A_80 : vector<16xi32>
        %gather3A_82 = tpu.vector_load_idx %arg10[%add3A_81, %broadcast_in_dim3A_53] : memref<64x512xf32, #tpu.memory_space<vmem>>[vector<16xi32>, vector<16xi32>], vector<16xf32>,
        %gather3A_83 = tpu.vector_load_idx %arg11[%add3A_81, %broadcast_in_dim3A_53] : memref<64x512xf32, #tpu.memory_space<vmem>>[vector<16xi32>, vector<16xi32>], vector<16xf32>,
        %mul3A_84 = arith.mulf %gather3A_82, %gather3A : vector<16xf32>
        %mul3A_85 = arith.mulf %gather3A_83, %gather3A_61 : vector<16xf32>
        %add3A_86 = arith.addf %mul3A_84, %mul3A_85 : vector<16xf32>
        %add3A_87 = arith.addf %scan3A_47, %add3A_86 : vector<16xf32>
        %mul3A_88 = arith.mulf %gather3A_82, %gather3A_57 : vector<16xf32>
        %mul3A_89 = arith.mulf %gather3A_83, %gather3A_65 : vector<16xf32>
        %add3A_90 = arith.addf %mul3A_88, %mul3A_89 : vector<16xf32>
        %add3A_91 = arith.addf %scan3A_48, %add3A_90 : vector<16xf32>
        %add3A_92 = arith.constant 32 : i32
        %add3A_93 = vector.broadcast %add3A_92 : i32 to vector<16xi32>
        %add3A_94 = arith.addi %iota3A, %add3A_93 : vector<16xi32>
        %gather3A_95 = tpu.vector_load_idx %arg10[%add3A_94, %broadcast_in_dim3A_53] : memref<64x512xf32, #tpu.memory_space<vmem>>[vector<16xi32>, vector<16xi32>], vector<16xf32>,
        %gather3A_96 = tpu.vector_load_idx %arg11[%add3A_94, %broadcast_in_dim3A_53] : memref<64x512xf32, #tpu.memory_space<vmem>>[vector<16xi32>, vector<16xi32>], vector<16xf32>,
        %mul3A_97 = arith.mulf %gather3A_95, %gather3A : vector<16xf32>
        %mul3A_98 = arith.mulf %gather3A_96, %gather3A_61 : vector<16xf32>
        %add3A_99 = arith.addf %mul3A_97, %mul3A_98 : vector<16xf32>
        %add3A_100 = arith.addf %scan3A_49, %add3A_99 : vector<16xf32>
        %mul3A_101 = arith.mulf %gather3A_95, %gather3A_57 : vector<16xf32>
        %mul3A_102 = arith.mulf %gather3A_96, %gather3A_65 : vector<16xf32>
        %add3A_103 = arith.addf %mul3A_101, %mul3A_102 : vector<16xf32>
        %add3A_104 = arith.addf %scan3A_50, %add3A_103 : vector<16xf32>
        %add3A_105 = arith.constant 48 : i32
        %add3A_106 = vector.broadcast %add3A_105 : i32 to vector<16xi32>
        %add3A_107 = arith.addi %iota3A, %add3A_106 : vector<16xi32>
        %gather3A_108 = tpu.vector_load_idx %arg10[%add3A_107, %broadcast_in_dim3A_53] : memref<64x512xf32, #tpu.memory_space<vmem>>[vector<16xi32>, vector<16xi32>], vector<16xf32>,
        %gather3A_109 = tpu.vector_load_idx %arg11[%add3A_107, %broadcast_in_dim3A_53] : memref<64x512xf32, #tpu.memory_space<vmem>>[vector<16xi32>, vector<16xi32>], vector<16xf32>,
        %mul3A_110 = arith.mulf %gather3A_108, %gather3A : vector<16xf32>
        %mul3A_111 = arith.mulf %gather3A_109, %gather3A_61 : vector<16xf32>
        %add3A_112 = arith.addf %mul3A_110, %mul3A_111 : vector<16xf32>
        %add3A_113 = arith.addf %scan3A_51, %add3A_112 : vector<16xf32>
        %mul3A_114 = arith.mulf %gather3A_108, %gather3A_57 : vector<16xf32>
        %mul3A_115 = arith.mulf %gather3A_109, %gather3A_65 : vector<16xf32>
        %add3A_116 = arith.addf %mul3A_114, %mul3A_115 : vector<16xf32>
        %add3A_117 = arith.addf %scan3A_52, %add3A_116 : vector<16xf32>
        scf.yield %add3A_74, %add3A_78, %add3A_87, %add3A_91, %add3A_100, %add3A_104, %add3A_113, %add3A_117 : vector<16xf32>, vector<16xf32>, vector<16xf32>, vector<16xf32>, vector<16xf32>, vector<16xf32>, vector<16xf32>, vector<16xf32>
      }
      %scan3A_28 = arith.constant 512 : i32
      %swap3A = arith.constant 0 : index
      %swap3A_29 = tpu.vector_load %arg13[%swap3A] {strides = array<i32>} : memref<64xf32, #tpu.memory_space<vmem>>, vector<16xf32>,
      tpu.vector_store %arg13[%swap3A], %scan3A_27#0 {strides = array<i32>} : memref<64xf32, #tpu.memory_space<vmem>>, vector<16xf32>,
      %swap3A_30 = arith.constant 0 : index
      %swap3A_31 = tpu.vector_load %arg14[%swap3A_30] {strides = array<i32>} : memref<64xf32, #tpu.memory_space<vmem>>, vector<16xf32>,
      tpu.vector_store %arg14[%swap3A_30], %scan3A_27#1 {strides = array<i32>} : memref<64xf32, #tpu.memory_space<vmem>>, vector<16xf32>,
      %swap3A_32 = arith.constant 16 : index
      %swap3A_33 = tpu.vector_load %arg13[%swap3A_32] {strides = array<i32>} : memref<64xf32, #tpu.memory_space<vmem>>, vector<16xf32>,
      tpu.vector_store %arg13[%swap3A_32], %scan3A_27#2 {strides = array<i32>} : memref<64xf32, #tpu.memory_space<vmem>>, vector<16xf32>,
      %swap3A_34 = arith.constant 16 : index
      %swap3A_35 = tpu.vector_load %arg14[%swap3A_34] {strides = array<i32>} : memref<64xf32, #tpu.memory_space<vmem>>, vector<16xf32>,
      tpu.vector_store %arg14[%swap3A_34], %scan3A_27#3 {strides = array<i32>} : memref<64xf32, #tpu.memory_space<vmem>>, vector<16xf32>,
      %swap3A_36 = arith.constant 32 : index
      %swap3A_37 = tpu.vector_load %arg13[%swap3A_36] {strides = array<i32>} : memref<64xf32, #tpu.memory_space<vmem>>, vector<16xf32>,
      tpu.vector_store %arg13[%swap3A_36], %scan3A_27#4 {strides = array<i32>} : memref<64xf32, #tpu.memory_space<vmem>>, vector<16xf32>,
      %swap3A_38 = arith.constant 32 : index
      %swap3A_39 = tpu.vector_load %arg14[%swap3A_38] {strides = array<i32>} : memref<64xf32, #tpu.memory_space<vmem>>, vector<16xf32>,
      tpu.vector_store %arg14[%swap3A_38], %scan3A_27#5 {strides = array<i32>} : memref<64xf32, #tpu.memory_space<vmem>>, vector<16xf32>,
      %swap3A_40 = arith.constant 48 : index
      %swap3A_41 = tpu.vector_load %arg13[%swap3A_40] {strides = array<i32>} : memref<64xf32, #tpu.memory_space<vmem>>, vector<16xf32>,
      tpu.vector_store %arg13[%swap3A_40], %scan3A_27#6 {strides = array<i32>} : memref<64xf32, #tpu.memory_space<vmem>>, vector<16xf32>,
      %swap3A_42 = arith.constant 48 : index
      %swap3A_43 = tpu.vector_load %arg14[%swap3A_42] {strides = array<i32>} : memref<64xf32, #tpu.memory_space<vmem>>, vector<16xf32>,
      tpu.vector_store %arg14[%swap3A_42], %scan3A_27#7 {strides = array<i32>} : memref<64xf32, #tpu.memory_space<vmem>>, vector<16xf32>,
      "tpu.region"() ({
        %run_scoped3A = tpu.sem_alloc : memref<!tpu.dma_semaphore, #tpu.memory_space<semaphore_mem>>
        %dma_start3A_44 = tpu.memref_slice %arg6[%add3A_12] : memref<16384xf32, #tpu.memory_space<hbm>> -> memref<64xf32, #tpu.memory_space<hbm>>
        %dma_start3A_45 = tpu.memref_slice %arg6[%add3A_12] : memref<16384xf32, #tpu.memory_space<hbm>> -> memref<64xf32, #tpu.memory_space<hbm>>
        tpu.enqueue_dma source(%arg13 : memref<64xf32, #tpu.memory_space<vmem>>) target(%dma_start3A_45 : memref<64xf32, #tpu.memory_space<hbm>>) target_semaphore(%run_scoped3A : memref<!tpu.dma_semaphore, #tpu.memory_space<semaphore_mem>>)
        %dma_wait3A_46 = tpu.memref_slice %arg6[%add3A_12] : memref<16384xf32, #tpu.memory_space<hbm>> -> memref<64xf32, #tpu.memory_space<hbm>>
        %dma_wait3A_47 = tpu.memref_slice %arg6[%add3A_12] : memref<16384xf32, #tpu.memory_space<hbm>> -> memref<64xf32, #tpu.memory_space<hbm>>
        tpu.wait_dma2 semaphore(%run_scoped3A : memref<!tpu.dma_semaphore, #tpu.memory_space<semaphore_mem>>) src(%arg13 : memref<64xf32, #tpu.memory_space<vmem>>) dst(%dma_wait3A_47 : memref<64xf32, #tpu.memory_space<hbm>>)
        tpu.yield
      }) : () -> ()
      "tpu.region"() ({
        %run_scoped3A = tpu.sem_alloc : memref<!tpu.dma_semaphore, #tpu.memory_space<semaphore_mem>>
        %dma_start3A_44 = tpu.memref_slice %arg7[%add3A_12] : memref<16384xf32, #tpu.memory_space<hbm>> -> memref<64xf32, #tpu.memory_space<hbm>>
        %dma_start3A_45 = tpu.memref_slice %arg7[%add3A_12] : memref<16384xf32, #tpu.memory_space<hbm>> -> memref<64xf32, #tpu.memory_space<hbm>>
        tpu.enqueue_dma source(%arg14 : memref<64xf32, #tpu.memory_space<vmem>>) target(%dma_start3A_45 : memref<64xf32, #tpu.memory_space<hbm>>) target_semaphore(%run_scoped3A : memref<!tpu.dma_semaphore, #tpu.memory_space<semaphore_mem>>)
        %dma_wait3A_46 = tpu.memref_slice %arg7[%add3A_12] : memref<16384xf32, #tpu.memory_space<hbm>> -> memref<64xf32, #tpu.memory_space<hbm>>
        %dma_wait3A_47 = tpu.memref_slice %arg7[%add3A_12] : memref<16384xf32, #tpu.memory_space<hbm>> -> memref<64xf32, #tpu.memory_space<hbm>>
        tpu.wait_dma2 semaphore(%run_scoped3A : memref<!tpu.dma_semaphore, #tpu.memory_space<semaphore_mem>>) src(%arg14 : memref<64xf32, #tpu.memory_space<vmem>>) dst(%dma_wait3A_47 : memref<64xf32, #tpu.memory_space<hbm>>)
        tpu.yield
      }) : () -> ()
    }
    %scan3A_8 = arith.constant 8 : i32
    return
  }
}

</mosaic_0001>

<sc_bundles>
// kernel: _sc_logits.3.cloned.1.call-start
scs
__scs_entry_jumppad:
0x0: {  	(pc) =	sbr.rel $0x88, $3  }
0x1: {  	(tag) =	ssettag $0x0;
	lr =	simm.s32 $0x1  }
0x2: {  	[smem:$0x3F9D] =	sst lr;
	_ =	strace $0xD0000000  }
0x3: {  	_ = 	snop  }
0x4: {  	_ = 	snop  }
0x5: {  	_ = 	snop  }
0x6: {  	_ = 	snop  }
0x7: {  	_ = 	snop  }
__scs_overlays_trampoline_lowered:
0x8: {  	[smem:$0x3FAC] =	sst s0  }
0x9: {  	[smem:$0x3FAD] =	sst s1  }
0xa: {  	[smem:$0x3FAE] =	sst s2  }
0xb: {  	[smem:$0x3FAF] =	sst s3  }
0xc: {  	[smem:$0x3FB0] =	sst s4  }
0xd: {  	[smem:$0x3FB1] =	sst s5  }
0xe: {  	[smem:$0x3FB2] =	sst s6  }
0xf: {  	[smem:$0x3FB3] =	sst s7  }
0x10: {  	[smem:$0x3FB4] =	sst s8  }
0x11: {  	[smem:$0x3FB5] =	sst s9;
	s0 =	simm.s32 @!p0 $0x0  }
0x12: {  	s1 =	sld [smem:$0x3F9B];
	s0 =	simm.s32 @p0 $0x1  }
0x13: {  	[smem:$0x3FB6] =	sst s0;
	s0 =	simm.s32 @!p1 $0x0  }
0x14: {  	s2 =	sld [smem:$0x3F9A];
	s0 =	simm.s32 @p1 $0x1  }
0x15: {  	[smem:$0x3FB7] =	sst s0;
	s0 =	simm.s32 @!p2 $0x0  }
0x16: {  	s3 =	sld [smem:$0x3FDB];
	s0 =	simm.s32 @p2 $0x1  }
0x17: {  	s4 =	simm.s32 $0x1BF5;
	[smem:$0x3FB9] =	sst s0  }
0x18: {  	s0 =	sld [smem:$0x3F9C];
	_ =	swait.ge [sflag:s4], $0x0  }
0x19: {  	s7 =	sld [smem:$0x3F9D]  }
0x1a: {  	s8 =	sadd.s32 $0xFFFFE003, lr  }
0x1b: {  	s9 =	sadd.s32 $0xFFFFFEF7, lr;
	s5 =	simm.s32 $0xFFFFFFFF;
	p2 =	slt.u32 s8, $0xFFFFF086  }
0x1c: {  	p1 =	slt.u32 s9, $0xF7A;
	s5 =	simm.s32 @!p2 $0x0  }
0x1d: {  	s5 =	simm.s32 @p1 $0x1;
	p0 =	seq.s32 s7, s2  }
0x1e: {  	s7 =	smul.u32 @!p0 $0xF7A, s2;
	p2 =	seq.s32 @!p0 s5, $0x0  }
0x1f: {  	s9 =	smul.u32 $0xF7A, s1;
	s8 =	simm.s32 @!p0 $0x1BF5;
	p2 =	por !p2, p0  }
0x20: {  	[sflag:s8] =	ssyncset.s32 @!p0 $0xFFFFF086;
	s6 =	sadd.s32 @!p0 s3, s7;
	s7 =	simm.s32 @!p0 $0x108  }
0x21: {  	s3 =	sadd.s32 s3, s9;
	s6 =	sadd.s32 @!p0 $0x88, s6;
	s7 =	simm.s32 @p2 $0x1082  }
0x22: {  	[simem:s7], [sflag:s8] =	dma.local @!p0 [hbm:s6], $0xF7A  }
0x23: {  	s9 =	sor.u32 $0xD0000000, s2;
	s6 =	simm.s32 $0x108;
	_ =	swait.ge @!p0 [sflag:s8], $0x0  }
0x24: {  	s3 =	sadd.s32 $0x88, s3;
	s6 =	simm.s32 @!p1 $0x1082;
	[sflag:s4] =	ssyncset.s32 $0xFFFFF086  }
0x25: {  	[simem:s6], [sflag:s4] =	dma.local [hbm:s3], $0xF7A  }
0x26: {  	[smem:$0x3F9D] =	sst s1;
	(tag) =	ssettag s2;
	_ =	strace s9  }
0x27: {  	s1 =	sld [smem:$0x3FAD]  }
0x28: {  	s2 =	sld [smem:$0x3FAE]  }
0x29: {  	s4 =	sld [smem:$0x3FB0]  }
0x2a: {  	p0 =	seq.s32 s5, $0x0;
	s5 =	sld [smem:$0x3FB1]  }
0x2b: {  	s6 =	sld [smem:$0x3FB2]  }
0x2c: {  	s7 =	sld [smem:$0x3FB3]  }
0x2d: {  	s3 =	simm.s32 $0x108;
	s8 =	sld [smem:$0x3FB4]  }
0x2e: {  	s3 =	simm.s32 @!p0 $0x1082;
	s9 =	sld [smem:$0x3FB5]  }
0x2f: {  	lr =	sadd.s32 s0, s3;
	s0 =	sld [smem:$0x3FAC]  }
0x30: {  	s3 =	sld [smem:$0x3FAF]  }
0x31: {  	[smem:$0x3FB8] =	sst s10  }
0x32: {  	s10 =	sld [smem:$0x3FB6];
	_ =	sdelay $0x3  }
0x33: {  	p0 =	seq.s32 s10, $0x1;
	s10 =	sld [smem:$0x3FB8];
	_ =	sdelay $0x3  }
0x34: {  	[smem:$0x3FB8] =	sst s10  }
0x35: {  	s10 =	sld [smem:$0x3FB7];
	_ =	sdelay $0x3  }
0x36: {  	p1 =	seq.s32 s10, $0x1;
	s10 =	sld [smem:$0x3FB8];
	_ =	sdelay $0x3  }
0x37: {  	[smem:$0x3FB8] =	sst s10  }
0x38: {  	s10 =	sld [smem:$0x3FB9]  }
0x39: {  	_ = 	snop;
	(pc) =	sbr.ind lr, $3  }
0x3a: {  	_ = 	snop  }
0x3b: {  	_ = 	snop  }
0x3c: {  	p2 =	seq.s32 s10, $0x1;
	s10 =	sld [smem:$0x3FB8]  }
0x3d: {  	_ =	shalt  }
0x3e: {  	_ =	shalt  }
0x3f: {  	_ =	shalt  }
0x40: {  	_ =	shalt  }
0x41: {  	_ =	shalt  }
0x42: {  	_ =	shalt  }
0x43: {  	_ =	shalt  }
0x44: {  	_ =	shalt  }
0x45: {  	_ =	shalt  }
0x46: {  	_ =	shalt  }
0x47: {  	_ =	shalt  }
0x48: {  	_ =	shalt  }
0x49: {  	_ =	shalt  }
0x4a: {  	_ =	shalt  }
0x4b: {  	_ =	shalt  }
0x4c: {  	_ =	shalt  }
0x4d: {  	_ =	shalt  }
0x4e: {  	_ =	shalt  }
0x4f: {  	_ =	shalt  }
0x50: {  	_ =	shalt  }
0x51: {  	_ =	shalt  }
0x52: {  	_ =	shalt  }
0x53: {  	_ =	shalt  }
0x54: {  	_ =	shalt  }
0x55: {  	_ =	shalt  }
0x56: {  	_ =	shalt  }
0x57: {  	_ =	shalt  }
0x58: {  	_ =	shalt  }
0x59: {  	_ =	shalt  }
0x5a: {  	_ =	shalt  }
0x5b: {  	_ =	shalt  }
0x5c: {  	_ =	shalt  }
0x5d: {  	_ =	shalt  }
0x5e: {  	_ =	shalt  }
0x5f: {  	_ =	shalt  }
0x60: {  	_ =	shalt  }
0x61: {  	_ =	shalt  }
0x62: {  	_ =	shalt  }
0x63: {  	_ =	shalt  }
0x64: {  	_ =	shalt  }
0x65: {  	_ =	shalt  }
0x66: {  	_ =	shalt  }
0x67: {  	_ =	shalt  }
0x68: {  	_ =	shalt  }
0x69: {  	_ =	shalt  }
0x6a: {  	_ =	shalt  }
0x6b: {  	_ =	shalt  }
0x6c: {  	_ =	shalt  }
0x6d: {  	_ =	shalt  }
0x6e: {  	_ =	shalt  }
0x6f: {  	_ =	shalt  }
0x70: {  	_ =	shalt  }
0x71: {  	_ =	shalt  }
0x72: {  	_ =	shalt  }
0x73: {  	_ =	shalt  }
0x74: {  	_ =	shalt  }
0x75: {  	_ =	shalt  }
0x76: {  	_ =	shalt  }
0x77: {  	_ =	shalt  }
0x78: {  	_ =	shalt  }
0x79: {  	_ =	shalt  }
0x7a: {  	_ =	shalt  }
0x7b: {  	_ =	shalt  }
0x7c: {  	_ =	shalt  }
0x7d: {  	_ =	shalt  }
0x7e: {  	_ =	shalt  }
0x7f: {  	_ =	shalt  }
0x80: {  	_ =	shalt  }
0x81: {  	_ =	shalt  }
0x82: {  	_ =	shalt  }
0x83: {  	_ =	shalt  }
0x84: {  	_ =	shalt  }
0x85: {  	_ =	shalt  }
0x86: {  	_ =	shalt  }
0x87: {  	_ =	shalt  }
.Lfunc_end0:
.L_simem_size_0:
called_computation_lowered:
.L_overlay_start_0:
0x88: {  	s2 =	sld [smem:$0x3FD9]  }
0x89: {  	s3 =	sld [smem:$0x3FFE];
	_ =	sdelay $0x1  }
0x8a: {  	s1 =	srdreg.scid  }
0x8b: {  	s0 =	sand.u32 $0x1, s1  }
0x8c: {  	s15 =	sshll.u32 s0, $0xA;
	s2 =	sadd.s32 s3, s2  }
0x8d: {  	s2 =	sadd.s32 s2, s15  }
0x8e: {  	[smem:$0x3FC4] =	sst s2  }
0x8f: {  	_ = 	snop  }
0x90: {  	s2 =	sld [smem:$0x3FC9]  }
0x91: {  	s16 =	sld [smem:$0x3FD0]  }
0x92: {  	s4 =	sld [smem:$0x3FC8]  }
0x93: {  	s5 =	sld [smem:$0x3FC7]  }
0x94: {  	s7 =	simm.s32 $0xA;
	s8 =	simm.s32 $0x10;
	s6 =	sld [smem:$0x3FC6]  }
0x95: {  	[smem:s8], [sflag:s7] =	dma.local [hbm:s16], $0x1  }
0x96: {  	_ =	swait.eq [sflag:s7], $0x1  }
0x97: {  	[sflag:s7] =	ssyncset.done $0x0  }
0x98: {  	s17 =	sld [smem:$0x10];
	[sflag:s7] =	ssyncadd.s32 $0xFFFFFFFF  }
0x99: {  	s18 =	sld [smem:$0x11];
	(tm) =	ssettm $0x1  }
0x9a: {  	s19 =	sld [smem:$0x3FFB];
	_ =	sdelay $0x3  }
0x9b: {  	_ =	strace s19  }
0x9c: {  	s8 =	sld [smem:$0x3FFC];
	_ =	sdelay $0x3  }
0x9d: {  	_ =	strace s8  }
0x9e: {  	s8 =	sld [smem:$0x3FFD];
	_ =	sdelay $0x3  }
0x9f: {  	_ =	strace s8  }
0xa0: {  	_ =	strace $0x8FFFFFFF  }
0xa1: {  	s20 =	sld [smem:$0x3FDB];
	_ =	sdelay $0x1  }
0xa2: {  	s9 =	simm.s32 $_scs_section_size  }
0xa3: {  	s10 =	simm.s32 $_size__tile_overlayer_lowered;
	s11 =	simm.s32 $_tile_overlayer_lowered  }
0xa4: {  	s23 =	simm.s32 $0x1BFF;
	s22 =	sshll.u32 s11, $0x1;
	s8 =	sadd.s32 s9, s20  }
0xa5: {  	s12 =	simm.s32 $0x0;
	s21 =	sshll.u32 s10, $0x1;
	s10 =	sadd.s32 s22, s8  }
0xa6: {  	[timem:s12], [sflag:s23] =	dma.local [hbm:s10], s21  }
0xa7: {  	_ =	swait.ge [sflag:s23], s21  }
0xa8: {  	s9 =	ssub.s32 $0x0, s21;
	[sflag:s23] =	ssyncset.done $0x0  }
0xa9: {  	[sflag:s23] =	ssyncadd.s32 s9;
	_ =	sdelay $0x1  }
0xaa: {  	s24 =	simm.s32 $0x1B8B  }
0xab: {  	_ =	swait.ge [sflag:s24], $0x1  }
0xac: {  	[sflag:s24] =	ssyncset.done $0x0  }
0xad: {  	s25 =	simm.s32 $0x1B8E;
	[sflag:s24] =	ssyncadd.s32 $0xFFFFFFFF  }
0xae: {  	s26 =	simm.s32 $execute0_lowered;
	[smem:$0x3FD2] =	sst s25  }
0xaf: {  	s9 =	sshll.u32 s26, $0x1;
	_ =	strace $0x80000046;
	[dreg:$0x1] =	wrdreg $0xFFFFFFFF  }
0xb0: {  	s28 =	simm.s32 $_size_execute0_lowered;
	s8 =	sadd.s32 s8, s9;
	[dreg:$0x0] =	wrdreg $0x0  }
0xb1: {  	s9 =	sshll.u32 s28, $0x1;
	[dreg:$0x2] =	wrdreg s8  }
0xb2: {  	[dreg:$0x3] =	wrdreg s9  }
0xb3: {  	[dreg:$0x4] =	wrdreg $0xC0  }
0xb4: {  	_ =	task [dreg:s12], $0x5FFFF  }
0xb5: {  	[dreg:$0x1] =	wrdreg $0xFFFFFFFF  }
0xb6: {  	[dreg:$0x0] =	wrdreg $0x60  }
0xb7: {  	[dreg:$0x2] =	wrdreg s2  }
0xb8: {  	[dreg:$0x3] =	wrdreg s4  }
0xb9: {  	[dreg:$0x4] =	wrdreg s5  }
0xba: {  	[dreg:$0x5] =	wrdreg s6  }
0xbb: {  	[dreg:$0x6] =	wrdreg s17  }
0xbc: {  	[dreg:$0x7] =	wrdreg s18  }
0xbd: {  	[dreg:$0x8] =	wrdreg $0x9  }
0xbe: {  	_ =	task.clear_ibuf [dreg:s12], $0x9FFFF;
	_ =	strace $0x90000046  }
0xbf: {  	s29 =	simm.s32 $0x9;
	_ =	strace $0x80000048  }
0xc0: {  	_ =	swait.ge [sflag:s29], $0x1  }
0xc1: {  	[sflag:s29] =	ssyncadd.s32 $0xFFFFFFFF  }
0xc2: {  	_ =	strace $0x90000048  }
0xc3: {  	_ =	sfence  }
0xc4: {  	s30 =	sld [smem:$0x0];
	_ =	sdelay $0x2  }
0xc5: {  	s31 =	sshll.u32 s1, $0xD;
	s1 =	sshrl.u32 s1, $0x2  }
0xc6: {  	s3 =	sand.u32 $0x4000, s31;
	s1 =	sadd.s32 s1, s30  }
0xc7: {  	s0 =	sor.u32 s3, s0;
	s1 =	sshll.u32 s1, $0x11  }
0xc8: {  	s0 =	sor.u32 s1, s0  }
0xc9: {  	s0 =	sadd.s32 $0x8F2B, s0  }
0xca: {  	[sflag:s0] =	ssyncadd.remote.s32 $0x1  }
0xcb: {  	_ =	sfence.sel $0xFFFF  }
0xcc: {  	[dreg:$0x0] =	wrdreg $0xFFFFFFFF;
	(pc) =	sbr.abs _section_cstart, $3  }
0xcd: {  	[dreg:$0x1] =	wrdreg $0xFFFFFFFF  }
0xce: {  	_ =	task.clear_ibuf [dreg:s12], $0x2FFFF;
	_ =	strace $0x9FFFFFFF  }
0xcf: {  	(tm) =	ssettm $0x7FFFFFFF  }
tec
execute0_lowered:
.L_overlay_start_1:
0x0: {  	(tag) =	ssettag $0x1  }
0x1: {  	v0 =	vimm.s32 $0x1380;
	vm15 =	vcmask $0x300  }
0x2: {  	vm14 =	vcmask $0x704;
	v0 =	vsel vm15, $0x0, v0  }
0x3: {  	vm13 =	vcmask $0xB08;
	v0 =	vsel vm14, $0x80, v0  }
0x4: {  	vm12 =	vcmask $0xF0C;
	v0 =	vsel vm13, $0x100, v0  }
0x5: {  	vm11 =	vcmask $0x1310;
	v0 =	vsel vm12, $0x180, v0  }
0x6: {  	vm10 =	vcmask $0x1714;
	vm9 =	vcmask $0x1B18;
	v0 =	vsel vm11, $0x200, v0  }
0x7: {  	vm8 =	vcmask $0x1F1C;
	vm7 =	vcmask $0x2320;
	v0 =	vsel vm10, $0x280, v0  }
0x8: {  	vm6 =	vcmask $0x2724;
	vm5 =	vcmask $0x2B28;
	v0 =	vsel vm9, $0x300, v0  }
0x9: {  	v2 =	vlaneseq.u32;
	vm4 =	vcmask $0x2F2C;
	v0 =	vsel vm8, $0x380, v0  }
0xa: {  	vm3 =	vcmask $0x3330;
	vm1 =	vcmask $0x3734;
	v0 =	vsel vm7, $0x1000, v0  }
0xb: {  	vm2 =	vcmask $0x3B38;
	vm0 =	vmmov $0xffff;
	v0 =	vsel vm6, $0x1080, v0  }
0xc: {  	v5 =	vimm.s32 $0x5380;
	v6 =	vimm.s32 $0x7380;
	v1 =	vsel vm5, $0x1100, v0  }
0xd: {  	v3 =	vshrl.u32 v2, $0x3;
	v5 =	vsel vm15, $0x4000, v5;
	v1 =	vsel vm4, $0x1180, v1  }
0xe: {  	v6 =	vsel vm15, $0x6000, v6;
	v5 =	vsel vm14, $0x4080, v5;
	v4 =	vsel vm3, $0x1200, v1  }
0xf: {  	v1 =	vmul.u32 $0x8, v3;
	v3 =	vsel vm1, $0x1280, v4;
	v4 =	vimm.s32 $0x3380  }
0x10: {  	v6 =	vsel vm14, $0x6080, v6;
	v5 =	vsel vm13, $0x4100, v5;
	v4 =	vsel vm15, $0x2000, v4  }
0x11: {  	v6 =	vsel vm13, $0x6100, v6;
	v5 =	vsel vm12, $0x4180, v5;
	v4 =	vsel vm14, $0x2080, v4  }
0x12: {  	s0 =	rddreg [dreg:$0x0];
	s1 =	srdreg.scid;
	s7 =	simm.s32 $0x0;
	v6 =	vsel vm12, $0x6180, v6;
	v5 =	vsel vm11, $0x4200, v5;
	v4 =	vsel vm13, $0x2100, v4  }
0x13: {  	s4 =	stileid.u32;
	s12 =	simm.s32 $0x10100;
	s13 =	simm.s32 $0x3;
	v6 =	vsel vm11, $0x6200, v6;
	v5 =	vsel vm10, $0x4280, v5;
	v4 =	vsel vm12, $0x2180, v4  }
0x14: {  	s15 =	simm.s32 $0x100;
	s5 =	simm.s32 $0x8100;
	s11 =	simm.s32 $0x9900;
	v6 =	vsel vm10, $0x6280, v6;
	v5 =	vsel vm9, $0x4300, v5;
	v4 =	vsel vm11, $0x2200, v4  }
0x15: {  	s6 =	simm.s32 $0xB900;
	s14 =	simm.s32 $0xC100;
	s16 =	simm.s32 $0xC900;
	v6 =	vsel vm9, $0x6300, v6;
	v5 =	vsel vm8, $0x4380, v5;
	v4 =	vsel vm10, $0x2280, v4  }
0x16: {  	s17 =	simm.s32 $0xD100;
	s18 =	simm.s32 $0xD900;
	s19 =	simm.s32 $0xE100;
	v6 =	vsel vm8, $0x6380, v6;
	v5 =	vsel vm7, $0x5000, v5;
	v4 =	vsel vm9, $0x2300, v4  }
0x17: {  	s20 =	simm.s32 $0xE900;
	s21 =	simm.s32 $0xF100;
	s22 =	simm.s32 $0xF900;
	v6 =	vsel vm7, $0x7000, v6;
	v5 =	vsel vm6, $0x5080, v5;
	v4 =	vsel vm8, $0x2380, v4  }
0x18: {  	s23 =	simm.s32 $0x1;
	s24 =	simm.s32 $0x2;
	s25 =	simm.s32 $0x10900;
	v6 =	vsel vm6, $0x7080, v6;
	v0 =	vand.u32 $0x7, v2;
	v4 =	vsel vm7, $0x3000, v4  }
0x19: {  	s26 =	simm.s32 $0x10980;
	s8 =	simm.s32 $0x0;
	s1 =	sand.u32 $0x1, s1;
	v2 =	vor.u32 $0x8, v2;
	v5 =	vsel vm5, $0x5100, v5;
	v4 =	vsel vm6, $0x3080, v4  }
0x1a: {  	[smem:$0x7FF] =	sst s7;
	s4 =	sshll.u32 s4, $0x7;
	s2 =	ssub.s32 $0x2, s1;
	v6 =	vsel vm5, $0x7100, v6;
	v5 =	vsel vm4, $0x5180, v5;
	v4 =	vsel vm5, $0x3100, v4  }
0x1b: {  	s10 =	sadd.s32 $0x100, s0;
	s1 =	sshll.u32 s1, $0x6;
	s3 =	sshrl.u32 s2, $0x1;
	v6 =	vsel vm4, $0x7180, v6;
	v5 =	vsel vm3, $0x5200, v5;
	v4 =	vsel vm4, $0x3180, v4  }
0x1c: {  	_ =	strace $0x80000047;
	s9 =	sor.u32 s1, s4;
	s2 =	ssub.s32 s2, s3;
	v6 =	vsel vm3, $0x7200, v6;
	v5 =	vsel vm1, $0x5280, v5;
	v4 =	vsel vm3, $0x3200, v4  }
0x1d: {  	s1 =	simm.s32 $0xA100;
	s4 =	simm.s32 $0xB100;
	s31 =	smax.u32 s2, $0x1;
	v6 =	vsel vm1, $0x7280, v6;
	v3 =	vsel vm2, $0x1300, v3;
	v4 =	vsel vm1, $0x3280, v4  }
0x1e: {  	s3 =	simm.s32 $0x9100;
	s2 =	simm.s32 $0xA900;
	[dreg:$0x7] =	wrdreg s31;
	v5 =	vsel vm2, $0x5300, v5;
	v6 =	vsel vm2, $0x7300, v6;
	v4 =	vsel vm2, $0x3300, v4  }
.LBB2_1:
0x1f: {  	[dreg:$0x8] =	wrdreg s8  }
0x20: {  	s28 =	rddreg [dreg:$0x3]  }
0x21: {  	[tilespmem:s12], [sflag:$0x3] =	stream.linear.gather [hbm4b:s28+s7], $0x800, $0x38;
	[tilespmem:$0x10A00] =	vst v63  }
0x22: {  	_ =	swait.ge [sflag:s13], $0x800  }
0x23: {  	[sflag:s13] =	ssyncset.done $0x0  }
0x24: {  	s28 =	simm.s32 $0x0;
	[sflag:s13] =	ssyncadd.s32 $0xFFFFF800  }
.LBB2_2:
0x25: {  	s29 =	sshll.u32 s28, $0x3  }
0x26: {  	s30 =	rddreg [dreg:$0x1];
	s29 =	sadd.s32 s9, s29  }
0x27: {  	s31 =	sadd.s32 s30, s29;
	s30 =	simm.s32 $0x0  }
0x28: {  	[tilespmem:s30], [sflag:$0x3] =	stream.linear.gather [hbm4b:s31+s30], $0x40, $0x38;
	[tilespmem:$0x10A00] =	vst v63  }
0x29: {  	_ =	swait.ge [sflag:s13], $0x40  }
0x2a: {  	[sflag:s13] =	ssyncset.done $0x0  }
0x2b: {  	[sflag:s13] =	ssyncadd.s32 $0xFFFFFFC0  }
0x2c: {  	s8 =	rddreg [dreg:$0x2]  }
0x2d: {  	s31 =	sadd.s32 s8, s29;
	s8 =	simm.s32 $0x80  }
0x2e: {  	[tilespmem:s8], [sflag:$0x3] =	stream.linear.gather [hbm4b:s31+s30], $0x40, $0x38;
	[tilespmem:$0x10A00] =	vst v63  }
0x2f: {  	_ =	swait.ge [sflag:s13], $0x40  }
0x30: {  	[sflag:s13] =	ssyncset.done $0x0  }
0x31: {  	[sflag:s13] =	ssyncadd.s32 $0xFFFFFFC0  }
0x32: {  	v7 =	vld [tilespmem:$0x0];
	_ =	sdelay $0x4  }
0x33: {  	v8 =	vshll.u32 v7, $0x2  }
0x34: {  	v7 =	vand.u32 $0x7, v7;
	v8 =	vand.u32 $0xFFFFFFE0, v8  }
0x35: {  	v7 =	vor.u32 v7, v8  }
0x36: {  	v8 =	vperm.xlane v7, v0;
	_ =	sdelay $0x1  }
0x37: {  	v8 =	vadd.s32 v1, v8;
	_ =	sdelay $0x1  }
0x38: {  	v7 =	vperm.xlane v7, v2;
	_ =	sdelay $0x1  }
0x39: {  	v7 =	vadd.s32 v1, v7  }
0x3a: {  	[tilespmem:s15], [sflag:$0x1] =	stream.indirect_vreg.gather [hbm4b:s0+s30], $0x80, v8, vm0, $0xb8;
	[tilespmem:$0x10A00] =	vst v63  }
0x3b: {  	s31 =	simm.s32 $0x900  }
0x3c: {  	[tilespmem:s31], [sflag:$0x1] =	stream.indirect_vreg.gather [hbm4b:s10+s30], $0x80, v8, vm0, $0xb8;
	[tilespmem:$0x10A00] =	vst v63  }
0x3d: {  	s31 =	simm.s32 $0x1100  }
0x3e: {  	[tilespmem:s31], [sflag:$0x1] =	stream.indirect_vreg.gather [hbm4b:s0+s30], $0x80, v7, vm0, $0xb8;
	[tilespmem:$0x10A00] =	vst v63  }
0x3f: {  	s31 =	simm.s32 $0x1900  }
0x40: {  	[tilespmem:s31], [sflag:$0x1] =	stream.indirect_vreg.gather [hbm4b:s10+s30], $0x80, v7, vm0, $0xb8;
	[tilespmem:$0x10A00] =	vst v63  }
0x41: {  	v7 =	vld [tilespmem:$0x10];
	_ =	sdelay $0x4  }
0x42: {  	v8 =	vshll.u32 v7, $0x2  }
0x43: {  	v7 =	vand.u32 $0x7, v7;
	v8 =	vand.u32 $0xFFFFFFE0, v8  }
0x44: {  	v7 =	vor.u32 v7, v8  }
0x45: {  	v8 =	vperm.xlane v7, v0;
	_ =	sdelay $0x1  }
0x46: {  	v8 =	vadd.s32 v1, v8;
	_ =	sdelay $0x1  }
0x47: {  	v7 =	vperm.xlane v7, v2;
	_ =	sdelay $0x1  }
0x48: {  	s31 =	simm.s32 $0x2100;
	v7 =	vadd.s32 v1, v7  }
0x49: {  	[tilespmem:s31], [sflag:$0x1] =	stream.indirect_vreg.gather [hbm4b:s0+s30], $0x80, v8, vm0, $0xb8;
	[tilespmem:$0x10A00] =	vst v63  }
0x4a: {  	s31 =	simm.s32 $0x2900  }
0x4b: {  	[tilespmem:s31], [sflag:$0x1] =	stream.indirect_vreg.gather [hbm4b:s10+s30], $0x80, v8, vm0, $0xb8;
	[tilespmem:$0x10A00] =	vst v63  }
0x4c: {  	s31 =	simm.s32 $0x3100  }
0x4d: {  	[tilespmem:s31], [sflag:$0x1] =	stream.indirect_vreg.gather [hbm4b:s0+s30], $0x80, v7, vm0, $0xb8;
	[tilespmem:$0x10A00] =	vst v63  }
0x4e: {  	s31 =	simm.s32 $0x3900  }
0x4f: {  	[tilespmem:s31], [sflag:$0x1] =	stream.indirect_vreg.gather [hbm4b:s10+s30], $0x80, v7, vm0, $0xb8;
	[tilespmem:$0x10A00] =	vst v63  }
0x50: {  	v7 =	vld [tilespmem:$0x20];
	_ =	sdelay $0x4  }
0x51: {  	v8 =	vshll.u32 v7, $0x2  }
0x52: {  	v7 =	vand.u32 $0x7, v7;
	v8 =	vand.u32 $0xFFFFFFE0, v8  }
0x53: {  	v7 =	vor.u32 v7, v8  }
0x54: {  	v8 =	vperm.xlane v7, v0;
	_ =	sdelay $0x1  }
0x55: {  	v8 =	vadd.s32 v1, v8;
	_ =	sdelay $0x1  }
0x56: {  	v7 =	vperm.xlane v7, v2;
	_ =	sdelay $0x1  }
0x57: {  	s31 =	simm.s32 $0x4100;
	v7 =	vadd.s32 v1, v7  }
0x58: {  	[tilespmem:s31], [sflag:$0x1] =	stream.indirect_vreg.gather [hbm4b:s0+s30], $0x80, v8, vm0, $0xb8;
	[tilespmem:$0x10A00] =	vst v63  }
0x59: {  	s31 =	simm.s32 $0x4900  }
0x5a: {  	[tilespmem:s31], [sflag:$0x1] =	stream.indirect_vreg.gather [hbm4b:s10+s30], $0x80, v8, vm0, $0xb8;
	[tilespmem:$0x10A00] =	vst v63  }
0x5b: {  	s31 =	simm.s32 $0x5100  }
0x5c: {  	[tilespmem:s31], [sflag:$0x1] =	stream.indirect_vreg.gather [hbm4b:s0+s30], $0x80, v7, vm0, $0xb8;
	[tilespmem:$0x10A00] =	vst v63  }
0x5d: {  	s31 =	simm.s32 $0x5900  }
0x5e: {  	[tilespmem:s31], [sflag:$0x1] =	stream.indirect_vreg.gather [hbm4b:s10+s30], $0x80, v7, vm0, $0xb8;
	[tilespmem:$0x10A00] =	vst v63  }
0x5f: {  	v7 =	vld [tilespmem:$0x30];
	_ =	sdelay $0x4  }
0x60: {  	v8 =	vshll.u32 v7, $0x2  }
0x61: {  	v7 =	vand.u32 $0x7, v7;
	v8 =	vand.u32 $0xFFFFFFE0, v8  }
0x62: {  	v7 =	vor.u32 v7, v8  }
0x63: {  	v8 =	vperm.xlane v7, v0;
	_ =	sdelay $0x1  }
0x64: {  	v8 =	vadd.s32 v1, v8;
	_ =	sdelay $0x1  }
0x65: {  	v7 =	vperm.xlane v7, v2;
	_ =	sdelay $0x1  }
0x66: {  	s31 =	simm.s32 $0x6100;
	v7 =	vadd.s32 v1, v7  }
0x67: {  	[tilespmem:s31], [sflag:$0x1] =	stream.indirect_vreg.gather [hbm4b:s0+s30], $0x80, v8, vm0, $0xb8;
	[tilespmem:$0x10A00] =	vst v63  }
0x68: {  	s31 =	simm.s32 $0x6900  }
0x69: {  	[tilespmem:s31], [sflag:$0x1] =	stream.indirect_vreg.gather [hbm4b:s10+s30], $0x80, v8, vm0, $0xb8;
	[tilespmem:$0x10A00] =	vst v63  }
0x6a: {  	s31 =	simm.s32 $0x7100  }
0x6b: {  	[tilespmem:s31], [sflag:$0x1] =	stream.indirect_vreg.gather [hbm4b:s0+s30], $0x80, v7, vm0, $0xb8;
	[tilespmem:$0x10A00] =	vst v63  }
0x6c: {  	s31 =	simm.s32 $0x7900  }
0x6d: {  	[tilespmem:s31], [sflag:$0x1] =	stream.indirect_vreg.gather [hbm4b:s10+s30], $0x80, v7, vm0, $0xb8;
	[tilespmem:$0x10A00] =	vst v63  }
0x6e: {  	v7 =	vld [tilespmem:$0x80];
	_ =	sdelay $0x4  }
0x6f: {  	v8 =	vshll.u32 v7, $0x2  }
0x70: {  	v7 =	vand.u32 $0x7, v7;
	v8 =	vand.u32 $0xFFFFFFE0, v8  }
0x71: {  	v7 =	vor.u32 v7, v8  }
0x72: {  	v8 =	vperm.xlane v7, v0;
	_ =	sdelay $0x1  }
0x73: {  	v8 =	vadd.s32 v1, v8;
	_ =	sdelay $0x1  }
0x74: {  	v7 =	vperm.xlane v7, v2;
	_ =	sdelay $0x1  }
0x75: {  	v7 =	vadd.s32 v1, v7  }
0x76: {  	[tilespmem:s5], [sflag:$0x2] =	stream.indirect_vreg.gather [hbm4b:s0+s30], $0x80, v8, vm0, $0xb8;
	[tilespmem:$0x10A00] =	vst v63  }
0x77: {  	s31 =	simm.s32 $0x8900  }
0x78: {  	[tilespmem:s31], [sflag:$0x2] =	stream.indirect_vreg.gather [hbm4b:s10+s30], $0x80, v8, vm0, $0xb8;
	[tilespmem:$0x10A00] =	vst v63  }
0x79: {  	_ = 	snop  }
0x7a: {  	[tilespmem:s3], [sflag:$0x2] =	stream.indirect_vreg.gather [hbm4b:s0+s30], $0x80, v7, vm0, $0xb8;
	[tilespmem:$0x10A00] =	vst v63  }
0x7b: {  	_ = 	snop  }
0x7c: {  	[tilespmem:s11], [sflag:$0x2] =	stream.indirect_vreg.gather [hbm4b:s10+s30], $0x80, v7, vm0, $0xb8;
	[tilespmem:$0x10A00] =	vst v63  }
0x7d: {  	v7 =	vld [tilespmem:$0x90];
	_ =	sdelay $0x4  }
0x7e: {  	v8 =	vshll.u32 v7, $0x2  }
0x7f: {  	v7 =	vand.u32 $0x7, v7;
	v8 =	vand.u32 $0xFFFFFFE0, v8  }
0x80: {  	v7 =	vor.u32 v7, v8  }
0x81: {  	v8 =	vperm.xlane v7, v0;
	_ =	sdelay $0x1  }
0x82: {  	v8 =	vadd.s32 v1, v8;
	_ =	sdelay $0x1  }
0x83: {  	v7 =	vperm.xlane v7, v2;
	_ =	sdelay $0x1  }
0x84: {  	v7 =	vadd.s32 v1, v7  }
0x85: {  	[tilespmem:s1], [sflag:$0x2] =	stream.indirect_vreg.gather [hbm4b:s0+s30], $0x80, v8, vm0, $0xb8;
	[tilespmem:$0x10A00] =	vst v63  }
0x86: {  	_ = 	snop  }
0x87: {  	[tilespmem:s2], [sflag:$0x2] =	stream.indirect_vreg.gather [hbm4b:s10+s30], $0x80, v8, vm0, $0xb8;
	[tilespmem:$0x10A00] =	vst v63  }
0x88: {  	_ = 	snop  }
0x89: {  	[tilespmem:s4], [sflag:$0x2] =	stream.indirect_vreg.gather [hbm4b:s0+s30], $0x80, v7, vm0, $0xb8;
	[tilespmem:$0x10A00] =	vst v63  }
0x8a: {  	_ = 	snop  }
0x8b: {  	[tilespmem:s6], [sflag:$0x2] =	stream.indirect_vreg.gather [hbm4b:s10+s30], $0x80, v7, vm0, $0xb8;
	[tilespmem:$0x10A00] =	vst v63  }
0x8c: {  	v7 =	vld [tilespmem:$0xA0];
	_ =	sdelay $0x4  }
0x8d: {  	v8 =	vshll.u32 v7, $0x2  }
0x8e: {  	v7 =	vand.u32 $0x7, v7;
	v8 =	vand.u32 $0xFFFFFFE0, v8  }
0x8f: {  	v7 =	vor.u32 v7, v8  }
0x90: {  	v8 =	vperm.xlane v7, v0;
	_ =	sdelay $0x1  }
0x91: {  	v8 =	vadd.s32 v1, v8;
	_ =	sdelay $0x1  }
0x92: {  	v7 =	vperm.xlane v7, v2;
	_ =	sdelay $0x1  }
0x93: {  	v7 =	vadd.s32 v1, v7  }
0x94: {  	[tilespmem:s14], [sflag:$0x2] =	stream.indirect_vreg.gather [hbm4b:s0+s30], $0x80, v8, vm0, $0xb8;
	[tilespmem:$0x10A00] =	vst v63  }
0x95: {  	_ = 	snop  }
0x96: {  	[tilespmem:s16], [sflag:$0x2] =	stream.indirect_vreg.gather [hbm4b:s10+s30], $0x80, v8, vm0, $0xb8;
	[tilespmem:$0x10A00] =	vst v63  }
0x97: {  	_ = 	snop  }
0x98: {  	[tilespmem:s17], [sflag:$0x2] =	stream.indirect_vreg.gather [hbm4b:s0+s30], $0x80, v7, vm0, $0xb8;
	[tilespmem:$0x10A00] =	vst v63  }
0x99: {  	_ = 	snop  }
0x9a: {  	[tilespmem:s18], [sflag:$0x2] =	stream.indirect_vreg.gather [hbm4b:s10+s30], $0x80, v7, vm0, $0xb8;
	[tilespmem:$0x10A00] =	vst v63  }
0x9b: {  	v7 =	vld [tilespmem:$0xB0];
	_ =	sdelay $0x4  }
0x9c: {  	v8 =	vshll.u32 v7, $0x2  }
0x9d: {  	v7 =	vand.u32 $0x7, v7;
	v8 =	vand.u32 $0xFFFFFFE0, v8  }
0x9e: {  	v7 =	vor.u32 v7, v8  }
0x9f: {  	v8 =	vperm.xlane v7, v0;
	_ =	sdelay $0x1  }
0xa0: {  	v8 =	vadd.s32 v1, v8;
	_ =	sdelay $0x1  }
0xa1: {  	v7 =	vperm.xlane v7, v2;
	_ =	sdelay $0x1  }
0xa2: {  	v7 =	vadd.s32 v1, v7  }
0xa3: {  	[tilespmem:s19], [sflag:$0x2] =	stream.indirect_vreg.gather [hbm4b:s0+s30], $0x80, v8, vm0, $0xb8;
	[tilespmem:$0x10A00] =	vst v63  }
0xa4: {  	_ = 	snop  }
0xa5: {  	[tilespmem:s20], [sflag:$0x2] =	stream.indirect_vreg.gather [hbm4b:s10+s30], $0x80, v8, vm0, $0xb8;
	[tilespmem:$0x10A00] =	vst v63  }
0xa6: {  	_ = 	snop  }
0xa7: {  	[tilespmem:s21], [sflag:$0x2] =	stream.indirect_vreg.gather [hbm4b:s0+s30], $0x80, v7, vm0, $0xb8;
	[tilespmem:$0x10A00] =	vst v63  }
0xa8: {  	_ = 	snop  }
0xa9: {  	[tilespmem:s22], [sflag:$0x2] =	stream.indirect_vreg.gather [hbm4b:s10+s30], $0x80, v7, vm0, $0xb8;
	[tilespmem:$0x10A00] =	vst v63  }
0xaa: {  	v7 =	vmov s30;
	_ =	swait.ge [sflag:s23], $0x8000  }
0xab: {  	v8 =	vshll.u32 v7, $0x3;
	[sflag:s23] =	ssyncset.done $0x0  }
0xac: {  	v9 =	vor.u32 $0x200, v7;
	v10 =	vand.u32 $0x7F, v7;
	v8 =	vand.u32 $0xC00, v8;
	[sflag:s23] =	ssyncadd.s32 $0xFFFF8000  }
0xad: {  	v11 =	vor.u32 $0x600, v7;
	v8 =	vor.u32 v10, v8;
	_ =	swait.ge [sflag:s24], $0x8000  }
0xae: {  	v10 =	vor.u32 v3, v8;
	[sflag:s24] =	ssyncset.done $0x0  }
0xaf: {  	v12 =	vor.u32 v4, v8;
	[sflag:s24] =	ssyncadd.s32 $0xFFFF8000  }
0xb0: {  	v13 =	vor.u32 v6, v8;
	v14 =	vld.idx.msk [tilespmem:v7+s12+$0x0], $0xffff  }
0xb1: {  	v16 =	vld.idx.msk [tilespmem:v9+s12+$0x0], $0xffff  }
0xb2: {  	v15 =	vld.idx.msk [tilespmem:v11+s12+$0x0], $0xffff  }
0xb3: {  	v8 =	vor.u32 v5, v8;
	v17 =	vld.idx.msk [tilespmem:v10+s15+$0x0], $0xffff  }
0xb4: {  	v7 =	vor.u32 $0x400, v7;
	v11 =	vld.idx.msk [tilespmem:v12+s15+$0x0], $0xffff  }
0xb5: {  	v20 =	vld.idx.msk [tilespmem:v13+s15+$0x0], $0xffff  }
0xb6: {  	s30 =	simm.s32 $0x1;
	v12 =	vld.idx.msk [tilespmem:v12+s5+$0x0], $0xffff  }
0xb7: {  	v18 =	vmov s30;
	v13 =	vld.idx.msk [tilespmem:v13+s5+$0x0], $0xffff  }
0xb8: {  	v19 =	vand.u32 $0x7F, v18;
	v22 =	vor.u32 $0x200, v18;
	v25 =	vld.idx.msk [tilespmem:v8+s15+$0x0], $0xffff  }
0xb9: {  	v35 =	vor.u32 $0x400, v18;
	v9 =	vimm.f32 $0.0e+00;
	v21 =	vld.idx.msk [tilespmem:v7+s12+$0x0], $0xffff;
	v7 =	vshll.u32 v18, $0x3  }
0xba: {  	v10 =	vld.idx.msk [tilespmem:v10+s5+$0x0], $0xffff;
	v7 =	vand.u32 $0xC00, v7;
	v24 =	vmul.f32 v17, v14;
	v28 =	vmul.f32 v11, v14  }
0xbb: {  	v23 =	vld.idx.msk [tilespmem:v8+s5+$0x0], $0xffff;
	v7 =	vor.u32 v19, v7;
	v29 =	vmul.f32 v12, v15;
	v31 =	vmul.f32 v20, v16  }
0xbc: {  	v19 =	vor.u32 $0x600, v18;
	v11 =	vmul.f32 v11, v16;
	v34 =	vmul.f32 v13, v15  }
0xbd: {  	v37 =	vmul.f32 v25, v16;
	v25 =	vmul.f32 v25, v14;
	v26 =	vor.u32 v3, v7  }
0xbe: {  	v8 =	vld.idx.msk [tilespmem:v22+s12+$0x0], $0xffff;
	v62 =	vmul.f32 v20, v14;
	v27 =	vor.u32 v4, v7;
	v30 =	vor.u32 v5, v7  }
0xbf: {  	v20 =	vld.idx.msk [tilespmem:v35+s12+$0x0], $0xffff;
	v33 =	vor.u32 v6, v7;
	v31 =	vadd.f32 v34, v31;
	v32 =	vmul.f32 v10, v21  }
0xc0: {  	v7 =	vld.idx.msk [tilespmem:v18+s12+$0x0], $0xffff;
	v29 =	vadd.f32 v29, v11;
	v22 =	vmul.f32 v12, v21;
	v36 =	vmul.f32 v23, v21  }
0xc1: {  	v23 =	vmul.f32 v23, v15;
	v38 =	vmul.f32 v13, v21;
	v11 =	vadd.f32 v31, v9;
	v18 =	vld.idx.msk [tilespmem:v19+s12+$0x0], $0xffff  }
0xc2: {  	v31 =	vmul.f32 v17, v16;
	v16 =	vadd.f32 v29, v9;
	v28 =	vadd.f32 v22, v28;
	v12 =	vld.idx.msk [tilespmem:v26+s15+$0x0], $0xffff  }
0xc3: {  	v21 =	vadd.f32 v32, v24;
	v22 =	vadd.f32 v36, v25;
	v19 =	vld.idx.msk [tilespmem:v27+s15+$0x0], $0xffff  }
0xc4: {  	v24 =	vmul.f32 v10, v15;
	v23 =	vadd.f32 v23, v37;
	v32 =	vadd.f32 v38, v62;
	v13 =	vld.idx.msk [tilespmem:v26+s5+$0x0], $0xffff  }
0xc5: {  	s30 =	simm.s32 $0x2;
	v10 =	vld.idx.msk [tilespmem:v33+s15+$0x0], $0xffff;
	v15 =	vadd.f32 v21, v9;
	v14 =	vadd.f32 v28, v9  }
0xc6: {  	v25 =	vld.idx.msk [tilespmem:v27+s5+$0x0], $0xffff;
	v28 =	vmov s30;
	v17 =	vadd.f32 v23, v9;
	v34 =	vadd.f32 v24, v31  }
0xc7: {  	v27 =	vld.idx.msk [tilespmem:v30+s5+$0x0], $0xffff;
	v24 =	vimm.f32 $0.0e+00;
	v29 =	vor.u32 $0x200, v28;
	v23 =	vshll.u32 v28, $0x3  }
0xc8: {  	v26 =	vld.idx.msk [tilespmem:v33+s5+$0x0], $0xffff;
	v63 =	vand.u32 $0x7F, v28;
	v31 =	vor.u32 $0x600, v28;
	v23 =	vand.u32 $0xC00, v23  }
0xc9: {  	v30 =	vld.idx.msk [tilespmem:v30+s15+$0x0], $0xffff;
	s30 =	simm.s32 $0x3;
	v33 =	vor.u32 v63, v23;
	v23 =	vimm.f32 $0.0e+00;
	v21 =	vmul.f32 v12, v7  }
.LBB2_3:
0xca: {  	p0 =	sne.s32 s30, $0x1FF;
	v35 =	vor.u32 v3, v33;
	v36 =	vor.u32 v4, v33;
	v9 =	vadd.f32 v34, v9;
	s31 =	smov.u32 s30;
	s30 =	sadd.s32 $0x1, s30  }
0xcb: {  	v37 =	vor.u32 v5, v33;
	v33 =	vor.u32 v6, v33;
	v34 =	vmul.f32 v19, v7  }
0xcc: {  	v38 =	vmul.f32 v25, v18;
	v39 =	vmul.f32 v10, v8;
	v24 =	vadd.f32 v32, v24  }
0xcd: {  	v41 =	vmul.f32 v19, v8;
	v23 =	vadd.f32 v22, v23;
	v40 =	vmul.f32 v13, v20;
	v32 =	vld.idx.msk [tilespmem:v28+s12+$0x0], $0xffff  }
0xce: {  	v42 =	vor.u32 $0x400, v28;
	v22 =	vmul.f32 v25, v20;
	v19 =	vmul.f32 v26, v18;
	v29 =	vld.idx.msk [tilespmem:v29+s12+$0x0], $0xffff  }
0xcf: {  	v25 =	vmul.f32 v27, v20;
	v28 =	vmul.f32 v30, v8;
	v31 =	vld.idx.msk [tilespmem:v31+s12+$0x0], $0xffff  }
0xd0: {  	v27 =	vmul.f32 v27, v18;
	v30 =	vmul.f32 v30, v7;
	v39 =	vadd.f32 v19, v39;
	v43 =	vld.idx.msk [tilespmem:v35+s15+$0x0], $0xffff  }
0xd1: {  	v38 =	vadd.f32 v38, v41;
	v34 =	vadd.f32 v22, v34;
	v41 =	vmul.f32 v26, v20;
	v19 =	vld.idx.msk [tilespmem:v36+s15+$0x0], $0xffff  }
0xd2: {  	v20 =	vadd.f32 v40, v21;
	v40 =	vmul.f32 v13, v18;
	v11 =	vadd.f32 v39, v11;
	v13 =	vld.idx.msk [tilespmem:v35+s5+$0x0], $0xffff  }
0xd3: {  	v22 =	vadd.f32 v25, v30;
	v39 =	vadd.f32 v27, v28;
	v35 =	vmul.f32 v10, v7;
	v10 =	vld.idx.msk [tilespmem:v33+s15+$0x0], $0xffff  }
.Ltmp0:
0xd4: {  	v15 =	vadd.f32 v20, v15;
	v14 =	vadd.f32 v34, v14;
	v30 =	vmul.f32 v12, v8;
	v25 =	vld.idx.msk [tilespmem:v36+s5+$0x0], $0xffff;
	(pc) =	sbr.rel @p0 .LBB2_3-.Ltmp0, $4  }
0xd5: {  	v16 =	vadd.f32 v38, v16;
	v28 =	vmov s31;
	v7 =	vmovc v32;
	v17 =	vadd.f32 v39, v17;
	v8 =	vmovc v29;
	v20 =	vld.idx.msk [tilespmem:v42+s12+$0x0], $0xffff  }
0xd6: {  	v26 =	vshll.u32 v28, $0x3;
	v29 =	vor.u32 $0x200, v28;
	v18 =	vmovc v31;
	v21 =	vmul.f32 v43, v7;
	v12 =	vmovc v43;
	v27 =	vld.idx.msk [tilespmem:v37+s5+$0x0], $0xffff  }
0xd7: {  	v32 =	vand.u32 $0x7F, v28;
	v34 =	vadd.f32 v40, v30;
	v36 =	vand.u32 $0xC00, v26;
	v26 =	vld.idx.msk [tilespmem:v33+s5+$0x0], $0xffff  }
0xd8: {  	v31 =	vor.u32 $0x600, v28;
	v33 =	vor.u32 v32, v36;
	v32 =	vadd.f32 v41, v35;
	v30 =	vld.idx.msk [tilespmem:v37+s15+$0x0], $0xffff  }
0xd9: {  	_ =	sdelay $0x1  }
0xda: {  	v35 =	vor.u32 v3, v33  }
0xdb: {  	v36 =	vor.u32 v4, v33;
	v9 =	vadd.f32 v34, v9;
	v50 =	vor.u32 v5, v33  }
0xdc: {  	v37 =	vmul.f32 v19, v7;
	v38 =	vmul.f32 v25, v18;
	v39 =	vld.idx.msk [tilespmem:v28+s12+$0x0], $0xffff;
	v51 =	vor.u32 v6, v33  }
0xdd: {  	v40 =	vmul.f32 v10, v8;
	v29 =	vld.idx.msk [tilespmem:v29+s12+$0x0], $0xffff;
	v52 =	vmul.f32 v19, v8;
	v22 =	vadd.f32 v22, v23  }
0xde: {  	v31 =	vld.idx.msk [tilespmem:v31+s12+$0x0], $0xffff;
	v54 =	vor.u32 $0x400, v28;
	v62 =	vmul.f32 v13, v18;
	v41 =	vmul.f32 v13, v20  }
0xdf: {  	v24 =	vadd.f32 v32, v24;
	v55 =	vmul.f32 v25, v20;
	v42 =	vmul.f32 v27, v20;
	v56 =	vld.idx.msk [tilespmem:v35+s15+$0x0], $0xffff  }
0xe0: {  	v59 =	vmul.f32 v27, v18;
	v19 =	vadd.f32 v38, v52;
	v53 =	vmul.f32 v26, v18;
	v57 =	vld.idx.msk [tilespmem:v36+s15+$0x0], $0xffff  }
0xe1: {  	v25 =	vadd.f32 v55, v37;
	v60 =	vmul.f32 v26, v20;
	v21 =	vadd.f32 v41, v21;
	v35 =	vld.idx.msk [tilespmem:v35+s5+$0x0], $0xffff  }
0xe2: {  	v43 =	vmul.f32 v30, v8;
	v58 =	vmul.f32 v30, v7;
	v32 =	vadd.f32 v53, v40;
	v61 =	vld.idx.msk [tilespmem:v51+s15+$0x0], $0xffff  }
0xe3: {  	v8 =	vmul.f32 v12, v8;
	v37 =	vld.idx.msk [tilespmem:v36+s5+$0x0], $0xffff;
	v15 =	vadd.f32 v21, v15;
	v41 =	vadd.f32 v25, v14  }
0xe4: {  	v7 =	vmul.f32 v10, v7;
	v38 =	vld.idx.msk [tilespmem:v54+s12+$0x0], $0xffff;
	v63 =	vadd.f32 v42, v58;
	v27 =	vadd.f32 v59, v43  }
0xe5: {  	v42 =	vadd.f32 v19, v16;
	v8 =	vadd.f32 v62, v8  }
0xe6: {  	v44 =	vld.idx.msk [tilespmem:v50+s5+$0x0], $0xffff;
	v7 =	vadd.f32 v60, v7;
	v11 =	vadd.f32 v32, v11  }
0xe7: {  	v46 =	vld.idx.msk [tilespmem:v50+s15+$0x0], $0xffff;
	v43 =	vadd.f32 v27, v17;
	v45 =	vmul.f32 v56, v39;
	v47 =	vmul.f32 v57, v39  }
0xe8: {  	v8 =	vadd.f32 v8, v9;
	v48 =	vmul.f32 v37, v31;
	v49 =	vmul.f32 v61, v29  }
0xe9: {  	v50 =	vld.idx.msk [tilespmem:v51+s5+$0x0], $0xffff;
	v7 =	vadd.f32 v7, v24;
	v51 =	vmul.f32 v35, v38;
	v52 =	vmul.f32 v57, v29  }
0xea: {  	v18 =	vadd.f32 v63, v22;
	v53 =	vmul.f32 v35, v31;
	v54 =	vmul.f32 v56, v29  }
0xeb: {  	v55 =	vmul.f32 v37, v38;
	v56 =	vmul.f32 v44, v38;
	v13 =	vadd.f32 v51, v45  }
0xec: {  	v57 =	vmul.f32 v46, v29;
	v19 =	vmul.f32 v46, v39;
	v22 =	vadd.f32 v53, v54  }
0xed: {  	v17 =	vmul.f32 v44, v31;
	v20 =	vadd.f32 v55, v47;
	v13 =	vadd.f32 v13, v15  }
0xee: {  	v12 =	vmul.f32 v50, v38;
	v9 =	vadd.f32 v48, v52;
	v8 =	vadd.f32 v22, v8  }
0xef: {  	v59 =	vmul.f32 v61, v39;
	v58 =	vadd.f32 v56, v19;
	v10 =	vadd.f32 v20, v41;
	[tilespmem:$0x10900] =	vst v13  }
0xf0: {  	v60 =	vmul.f32 v50, v31;
	v17 =	vadd.f32 v17, v57;
	v9 =	vadd.f32 v9, v42;
	[tilespmem:$0x10980] =	vst v8  }
0xf1: {  	v61 =	vadd.f32 v58, v18;
	v8 =	vadd.f32 v12, v59;
	[tilespmem:$0x10910] =	vst v10  }
0xf2: {  	v62 =	vadd.f32 v60, v49;
	v63 =	vadd.f32 v17, v43;
	[tilespmem:$0x10990] =	vst v9  }
0xf3: {  	[tilespmem:$0x10920] =	vst v61;
	v7 =	vadd.f32 v8, v7  }
0xf4: {  	[tilespmem:$0x109A0] =	vst v63;
	v8 =	vadd.f32 v62, v11  }
0xf5: {  	s30 =	rddreg [dreg:$0x4];
	[tilespmem:$0x10930] =	vst v7  }
0xf6: {  	s30 =	sadd.s32 s30, s29;
	[tilespmem:$0x109B0] =	vst v8  }
0xf7: {  	[hbm4b:s30+s7] =	stream.linear.scatter [tilespmem:s25], [sflag:$0x3], $0x40, $0x38;
	[tilespmem:$0x10A00] =	vst v63  }
0xf8: {  	_ =	swait.ge [sflag:s13], $0x40  }
0xf9: {  	[sflag:s13] =	ssyncset.done $0x0  }
0xfa: {  	s28 =	sadd.s32 $0x1, s28;
	[sflag:s13] =	ssyncadd.s32 $0xFFFFFFC0  }
0xfb: {  	p0 =	sne.s32 s28, $0x8;
	s8 =	rddreg [dreg:$0x5]  }
.Ltmp1:
0xfc: {  	s31 =	sadd.s32 s8, s29;
	(pc) =	sbr.rel @p0 .LBB2_2-.Ltmp1, $4  }
0xfd: {  	[hbm4b:s31+s7] =	stream.linear.scatter [tilespmem:s26], [sflag:$0x3], $0x40, $0x38;
	[tilespmem:$0x10A00] =	vst v63  }
0xfe: {  	_ =	swait.ge [sflag:s13], $0x40  }
0xff: {  	[sflag:s13] =	ssyncset.done $0x0  }
0x100: {  	[sflag:s13] =	ssyncadd.s32 $0xFFFFFFC0  }
0x101: {  	s8 =	rddreg [dreg:$0x8]  }
0x102: {  	s28 =	rddreg [dreg:$0x7];
	s8 =	sadd.s32 $0x1, s8  }
0x103: {  	p0 =	sne.s32 s8, s28  }
.Ltmp2:
0x104: {  	_ = 	snop;
	(pc) =	sbr.rel @p0 .LBB2_1-.Ltmp2, $1  }
0x105: {  	_ =	sdelay $0x3  }
0x106: {  	_ =	sfence.sel $0x180000  }
0x107: {  	[bflag:$0x0] =	sbarrier.arrive $0xFFFF  }
0x108: {  	_ =	strace $0x90000047  }
0x109: {  	s0 =	stileid.u32;
	[bflag:$0x2] =	sbarrier.arrive $0xFFFF  }
0x10a: {  	p0 =	sne.s32 s0, $0x0;
	s0 =	rddreg [dreg:$0x6]  }
0x10b: {  	s0 =	sadd.s32 @!p0 $0x100000, s0  }
0x10c: {  	[sflag:s0] =	ssyncadd.tile.s32 @!p0 $0x1;
	_ =	shalt  }
.Lfunc_end2:
_tile_overlayer_lowered:
.L_overlay_start_2:
0x10d: {  	(tag) =	ssettag $0x2  }
0x10e: {  	s0 =	rddreg [dreg:$0x0];
	s2 =	stileid.u32  }
0x10f: {  	s1 =	rddreg [dreg:$0x1];
	p0 =	sne.s32 s2, $0x0  }
0x110: {  	s3 =	rddreg [dreg:$0x2];
	[bflag:$0x3] =	sbarrier.arrive $0xFFFF;
	s2 =	simm.s32 @!p0 $0x1C03  }
0x111: {  	[timem:s3], [sflag:s2] =	dma.local @!p0 [hbm:s0], s1  }
0x112: {  	s0 =	simm.s32 @!p0 $0x3  }
0x113: {  	_ =	swait.ge @!p0 [sflag:s0], s1  }
0x114: {  	s1 =	ssub.s32 @!p0 $0x0, s1;
	[sflag:s0] =	ssyncset.done @!p0 $0x0  }
0x115: {  	[sflag:s0] =	ssyncadd.s32 @!p0 s1  }
0x116: {  	[bflag:$0x3] =	sbarrier.arrive $0xFFFF  }
0x117: {  	_ =	shalt  }

</sc_bundles>
